<compile_context>
chip_gen: v7x
topology: tpu7x:2x2x1
jax: 0.10.2.dev20260603
libtpu: 0.0.44.dev20260713+nightly
codegen_flags: <defaults>
</compile_context>

<pallas_src>
import functools

import jax
import jax.numpy as jnp
from jax import lax
from jax.experimental import pallas as pl
from jax.experimental.pallas import tpu as pltpu
from jax.experimental.pallas import tpu_sc as plsc

_NS = 16
_L = 16


@functools.lru_cache(maxsize=None)
def _make_sc_kernel(n, c):
    bpw = n // _NS
    nv = bpw // _L
    nrow = c // 8 * (n // 128) * 8
    itile = n // 128
    mesh = plsc.VectorSubcoreMesh(
        core_axis_name="c", subcore_axis_name="s", num_cores=1)

    @functools.partial(
        pl.kernel,
        mesh=mesh,
        out_type=jax.ShapeDtypeStruct((1, _L), jnp.float32),
        compiler_params=pltpu.CompilerParams(needs_layout_passes=False),
        scratch_types=[
            pltpu.VMEM((bpw,), jnp.int32),
            pltpu.VMEM((bpw,), jnp.int32),
            pltpu.VMEM((bpw,), jnp.float32),
            pltpu.VMEM((bpw, 128), jnp.float32),
            pltpu.VMEM((_L,), jnp.float32),
            pltpu.VMEM((_L,), jnp.int32),
            pltpu.VMEM((_L,), jnp.float32),
            pltpu.VMEM((_L,), jnp.float32),
            pltpu.VMEM_SHARED((_L,), jnp.float32),
            pltpu.SemaphoreType.DMA,
        ],
    )
    def sc_kernel(prob_hbm, tgt_hbm, rw_hbm, out_hbm,
                  tgt_v, ridx_v, rw_v, val_v, part_v, lidx_v, red_v, out_v,
                  shared, sem):
        sid = lax.axis_index("s")
        base = sid * bpw

        prob_rows = prob_hbm.reshape(nrow, 128)

        cp_t = pltpu.async_copy(tgt_hbm.at[pl.ds(base, bpw)], tgt_v, sem)
        cp_r = pltpu.async_copy(rw_hbm.at[pl.ds(base, bpw)], rw_v, sem)

        lanes = lax.iota(jnp.int32, 16)
        lidx_v[...] = lanes

        @pl.when(sid == 0)
        def _():
            red_v[...] = jnp.zeros((_L,), dtype=jnp.float32)
            pltpu.sync_copy(red_v, shared)

        plsc.subcore_barrier()

        cp_t.wait()
        cp_r.wait()

        for j in range(nv):
            ivec = base + j * _L + lanes
            t = tgt_v[pl.ds(j * _L, _L)]
            r = (lax.shift_right_logical(t, 3) * (itile * 8)
                 + lax.shift_right_logical(ivec, 7) * 8
                 + lax.bitwise_and(t, 7))
            ridx_v[pl.ds(j * _L, _L)] = r

        pltpu.async_copy(prob_rows.at[ridx_v], val_v, sem).wait()

        part = jnp.zeros((_L,), dtype=jnp.float32)
        for j in range(nv):
            ivec = base + j * _L + lanes
            sel = plsc.load_gather(
                val_v, [j * _L + lanes, lax.bitwise_and(ivec, 127)])
            part = part + sel * rw_v[pl.ds(j * _L, _L)]
        part_v[...] = part

        pltpu.sync_copy(part_v, shared.at[lidx_v], add=True)
        plsc.subcore_barrier()

        @pl.when(sid == 0)
        def _():
            pltpu.sync_copy(shared, red_v)
            tot = red_v[...]
            for sh in (8, 4, 2, 1):
                _, partner = plsc.sort_key_val(
                    lax.bitwise_xor(lanes, sh), tot)
                tot = tot + partner
            out_v[...] = -tot
            pltpu.sync_copy(out_v, out_hbm.at[0])

    return sc_kernel


def kernel(prob, target, reward):
    n, c = prob.shape
    phys = (jnp.transpose(prob)
            .reshape(c // 8, 8, n // 128, 128)
            .transpose(0, 2, 1, 3))
    out = _make_sc_kernel(n, c)(phys, target, reward)
    return out[0, 0]

# --- scband reference (transcript-rebuilt; emitter-appended) ---
"""Pipeline reference for scband-ganloss-62234076119261 (READ-ONLY COPY).

The authoritative reference and input builder live on the scoring server;
editing this copy changes nothing except your own understanding.
"""

import jax, jax.numpy as jnp
import numpy as np

N = 1024
C = 100000

def setup_inputs(seed: int = 0) -> dict:
    key = jax.random.key(seed)
    k1, k2, k3 = jax.random.split(key, 3)
    prob = jax.random.normal(k1, (N, C), dtype=jnp.float32)
    target = jax.random.randint(k2, (N,), 0, C, dtype=jnp.int32)
    reward = jax.random.uniform(k3, (N,), dtype=jnp.float32)
    return {"prob": prob, "target": target, "reward": reward}

def reference(prob, target, reward):
    # one_hot scatter + masked_select == gather of prob[i, target[i]]
    selected = jnp.take_along_axis(prob, target[:, None].astype(jnp.int32), axis=1)[:, 0]
    loss = selected * reward
    loss = -jnp.sum(loss)
    return loss

if __name__ == "__main__":
    import jax
    _d = setup_inputs()
    print(jax.jit(kernel)(*tuple(_d.values())))

</pallas_src>

<mosaic_0001>
#map = affine_map<(d0, d1) -> (0, 0, 0, 0)>
#map1 = affine_map<(d0, d1) -> (0)>
#map2 = affine_map<(d0, d1) -> (0, 0)>
module attributes {stable_mosaic.version = 14 : i64} {
  func.func @sc_kernel(%arg0: i32, %arg1: i32, %arg2: memref<12500x8x8x128xf32, #tpu.memory_space<hbm>>, %arg3: memref<1024xi32, #tpu.memory_space<hbm>>, %arg4: memref<1024xf32, #tpu.memory_space<hbm>>, %arg5: memref<1x16xf32, #tpu.memory_space<hbm>>, %arg6: memref<64xi32, #tpu.memory_space<vmem>>, %arg7: memref<64xi32, #tpu.memory_space<vmem>>, %arg8: memref<64xf32, #tpu.memory_space<vmem>>, %arg9: memref<64x128xf32, #tpu.memory_space<vmem>>, %arg10: memref<16xf32, #tpu.memory_space<vmem>>, %arg11: memref<16xi32, #tpu.memory_space<vmem>>, %arg12: memref<16xf32, #tpu.memory_space<vmem>>, %arg13: memref<16xf32, #tpu.memory_space<vmem>>, %arg14: memref<16xf32, #tpu.memory_space<vmem_shared>>, %arg15: memref<!tpu.dma_semaphore, #tpu.memory_space<semaphore_mem>>) attributes {dimension_semantics = [#tpu.dimension_semantics<core_parallel>, #tpu.dimension_semantics<subcore_parallel>], iteration_bounds = array<i64: 1, 16>, scalar_prefetch = 0 : i64, scratch_operands = 10 : i64, tpu.core_type = #tpu.core_type<sc_vector_subcore>, window_params = [{transform_indices = #map}, {transform_indices = #map1}, {transform_indices = #map1}, {transform_indices = #map2}]} {
    %mul3A = arith.constant 64 : i32
    %mul3A_0 = arith.muli %arg1, %mul3A : i32
    %dma_start3A = tpu.memref_slice %arg3[%mul3A_0] : memref<1024xi32, #tpu.memory_space<hbm>> -> memref<64xi32, #tpu.memory_space<hbm>>
    %dma_start3A_1 = tpu.memref_slice %arg3[%mul3A_0] : memref<1024xi32, #tpu.memory_space<hbm>> -> memref<64xi32, #tpu.memory_space<hbm>>
    tpu.enqueue_dma source(%dma_start3A_1 : memref<64xi32, #tpu.memory_space<hbm>>) target(%arg6 : memref<64xi32, #tpu.memory_space<vmem>>) target_semaphore(%arg15 : memref<!tpu.dma_semaphore, #tpu.memory_space<semaphore_mem>>)
    %dma_start3A_2 = tpu.memref_slice %arg4[%mul3A_0] : memref<1024xf32, #tpu.memory_space<hbm>> -> memref<64xf32, #tpu.memory_space<hbm>>
    %dma_start3A_3 = tpu.memref_slice %arg4[%mul3A_0] : memref<1024xf32, #tpu.memory_space<hbm>> -> memref<64xf32, #tpu.memory_space<hbm>>
    tpu.enqueue_dma source(%dma_start3A_3 : memref<64xf32, #tpu.memory_space<hbm>>) target(%arg8 : memref<64xf32, #tpu.memory_space<vmem>>) target_semaphore(%arg15 : memref<!tpu.dma_semaphore, #tpu.memory_space<semaphore_mem>>)
    %iota3A = tpu.iota {dimensions = array<i32: 0>} : vector<16xi32>
    %swap3A = arith.constant 0 : index
    %swap3A_4 = tpu.vector_load %arg11[%swap3A] {strides = array<i32>} : memref<16xi32, #tpu.memory_space<vmem>>, vector<16xi32>,
    tpu.vector_store %arg11[%swap3A], %iota3A {strides = array<i32>} : memref<16xi32, #tpu.memory_space<vmem>>, vector<16xi32>,
    %eq3A = arith.constant 0 : i32
    %eq3A_5 = arith.cmpi eq, %arg1, %eq3A : i32
    %convert_element_type3A = arith.extui %eq3A_5 : i1 to i32
    %cond3A = arith.constant 0 : i32
    %cond3A_6 = arith.cmpi ne, %convert_element_type3A, %cond3A : i32
    scf.if %cond3A_6 {
      %broadcast_in_dim3A_182 = arith.constant 0.000000e+00 : f32
      %broadcast_in_dim3A_183 = vector.broadcast %broadcast_in_dim3A_182 : f32 to vector<16xf32>
      %swap3A_184 = arith.constant 0 : index
      %swap3A_185 = tpu.vector_load %arg12[%swap3A_184] {strides = array<i32>} : memref<16xf32, #tpu.memory_space<vmem>>, vector<16xf32>,
      tpu.vector_store %arg12[%swap3A_184], %broadcast_in_dim3A_183 {strides = array<i32>} : memref<16xf32, #tpu.memory_space<vmem>>, vector<16xf32>,
      "tpu.region"() ({
        %run_scoped3A = tpu.sem_alloc : memref<!tpu.dma_semaphore, #tpu.memory_space<semaphore_mem>>
        tpu.enqueue_dma source(%arg12 : memref<16xf32, #tpu.memory_space<vmem>>) target(%arg14 : memref<16xf32, #tpu.memory_space<vmem_shared>>) target_semaphore(%run_scoped3A : memref<!tpu.dma_semaphore, #tpu.memory_space<semaphore_mem>>)
        tpu.wait_dma2 semaphore(%run_scoped3A : memref<!tpu.dma_semaphore, #tpu.memory_space<semaphore_mem>>) src(%arg12 : memref<16xf32, #tpu.memory_space<vmem>>) dst(%arg14 : memref<16xf32, #tpu.memory_space<vmem_shared>>)
        tpu.yield
      }) : () -> ()
    } else {
    }
    %barrier3A = arith.constant 0 : index
    tpu.barrier barrier_id(%barrier3A)
    %dma_wait3A = tpu.memref_slice %arg3[%mul3A_0] : memref<1024xi32, #tpu.memory_space<hbm>> -> memref<64xi32, #tpu.memory_space<hbm>>
    %dma_wait3A_7 = tpu.memref_slice %arg3[%mul3A_0] : memref<1024xi32, #tpu.memory_space<hbm>> -> memref<64xi32, #tpu.memory_space<hbm>>
    tpu.wait_dma2 semaphore(%arg15 : memref<!tpu.dma_semaphore, #tpu.memory_space<semaphore_mem>>) src(%dma_wait3A_7 : memref<64xi32, #tpu.memory_space<hbm>>) dst(%arg6 : memref<64xi32, #tpu.memory_space<vmem>>)
    %dma_wait3A_8 = tpu.memref_slice %arg4[%mul3A_0] : memref<1024xf32, #tpu.memory_space<hbm>> -> memref<64xf32, #tpu.memory_space<hbm>>
    %dma_wait3A_9 = tpu.memref_slice %arg4[%mul3A_0] : memref<1024xf32, #tpu.memory_space<hbm>> -> memref<64xf32, #tpu.memory_space<hbm>>
    tpu.wait_dma2 semaphore(%arg15 : memref<!tpu.dma_semaphore, #tpu.memory_space<semaphore_mem>>) src(%dma_wait3A_9 : memref<64xf32, #tpu.memory_space<hbm>>) dst(%arg8 : memref<64xf32, #tpu.memory_space<vmem>>)
    %add3A = arith.constant 0 : i32
    %add3A_10 = arith.addi %mul3A_0, %add3A : i32
    %add3A_11 = vector.broadcast %add3A_10 : i32 to vector<16xi32>
    %add3A_12 = arith.addi %add3A_11, %iota3A : vector<16xi32>
    %get3A = arith.constant 0 : index
    %get3A_13 = tpu.vector_load %arg6[%get3A] {strides = array<i32>} : memref<64xi32, #tpu.memory_space<vmem>>, vector<16xi32>,
    %shift_right_logical3A = arith.constant 3 : i32
    %shift_right_logical3A_14 = vector.broadcast %shift_right_logical3A : i32 to vector<16xi32>
    %shift_right_logical3A_15 = arith.shrui %get3A_13, %shift_right_logical3A_14 : vector<16xi32>
    %mul3A_16 = arith.constant 64 : i32
    %mul3A_17 = vector.broadcast %mul3A_16 : i32 to vector<16xi32>
    %mul3A_18 = arith.muli %shift_right_logical3A_15, %mul3A_17 : vector<16xi32>
    %shift_right_logical3A_19 = arith.constant 7 : i32
    %shift_right_logical3A_20 = vector.broadcast %shift_right_logical3A_19 : i32 to vector<16xi32>
    %shift_right_logical3A_21 = arith.shrui %add3A_12, %shift_right_logical3A_20 : vector<16xi32>
    %mul3A_22 = arith.constant 8 : i32
    %mul3A_23 = vector.broadcast %mul3A_22 : i32 to vector<16xi32>
    %mul3A_24 = arith.muli %shift_right_logical3A_21, %mul3A_23 : vector<16xi32>
    %add3A_25 = arith.addi %mul3A_18, %mul3A_24 : vector<16xi32>
    %and3A = arith.constant 7 : i32
    %and3A_26 = vector.broadcast %and3A : i32 to vector<16xi32>
    %and3A_27 = arith.andi %get3A_13, %and3A_26 : vector<16xi32>
    %add3A_28 = arith.addi %add3A_25, %and3A_27 : vector<16xi32>
    %swap3A_29 = arith.constant 0 : index
    %swap3A_30 = tpu.vector_load %arg7[%swap3A_29] {strides = array<i32>} : memref<64xi32, #tpu.memory_space<vmem>>, vector<16xi32>,
    tpu.vector_store %arg7[%swap3A_29], %add3A_28 {strides = array<i32>} : memref<64xi32, #tpu.memory_space<vmem>>, vector<16xi32>,
    %add3A_31 = arith.constant 16 : i32
    %add3A_32 = arith.addi %mul3A_0, %add3A_31 : i32
    %add3A_33 = vector.broadcast %add3A_32 : i32 to vector<16xi32>
    %add3A_34 = arith.addi %add3A_33, %iota3A : vector<16xi32>
    %get3A_35 = arith.constant 16 : index
    %get3A_36 = tpu.vector_load %arg6[%get3A_35] {strides = array<i32>} : memref<64xi32, #tpu.memory_space<vmem>>, vector<16xi32>,
    %shift_right_logical3A_37 = arith.constant 3 : i32
    %shift_right_logical3A_38 = vector.broadcast %shift_right_logical3A_37 : i32 to vector<16xi32>
    %shift_right_logical3A_39 = arith.shrui %get3A_36, %shift_right_logical3A_38 : vector<16xi32>
    %mul3A_40 = arith.constant 64 : i32
    %mul3A_41 = vector.broadcast %mul3A_40 : i32 to vector<16xi32>
    %mul3A_42 = arith.muli %shift_right_logical3A_39, %mul3A_41 : vector<16xi32>
    %shift_right_logical3A_43 = arith.constant 7 : i32
    %shift_right_logical3A_44 = vector.broadcast %shift_right_logical3A_43 : i32 to vector<16xi32>
    %shift_right_logical3A_45 = arith.shrui %add3A_34, %shift_right_logical3A_44 : vector<16xi32>
    %mul3A_46 = arith.constant 8 : i32
    %mul3A_47 = vector.broadcast %mul3A_46 : i32 to vector<16xi32>
    %mul3A_48 = arith.muli %shift_right_logical3A_45, %mul3A_47 : vector<16xi32>
    %add3A_49 = arith.addi %mul3A_42, %mul3A_48 : vector<16xi32>
    %and3A_50 = arith.constant 7 : i32
    %and3A_51 = vector.broadcast %and3A_50 : i32 to vector<16xi32>
    %and3A_52 = arith.andi %get3A_36, %and3A_51 : vector<16xi32>
    %add3A_53 = arith.addi %add3A_49, %and3A_52 : vector<16xi32>
    %swap3A_54 = arith.constant 16 : index
    %swap3A_55 = tpu.vector_load %arg7[%swap3A_54] {strides = array<i32>} : memref<64xi32, #tpu.memory_space<vmem>>, vector<16xi32>,
    tpu.vector_store %arg7[%swap3A_54], %add3A_53 {strides = array<i32>} : memref<64xi32, #tpu.memory_space<vmem>>, vector<16xi32>,
    %add3A_56 = arith.constant 32 : i32
    %add3A_57 = arith.addi %mul3A_0, %add3A_56 : i32
    %add3A_58 = vector.broadcast %add3A_57 : i32 to vector<16xi32>
    %add3A_59 = arith.addi %add3A_58, %iota3A : vector<16xi32>
    %get3A_60 = arith.constant 32 : index
    %get3A_61 = tpu.vector_load %arg6[%get3A_60] {strides = array<i32>} : memref<64xi32, #tpu.memory_space<vmem>>, vector<16xi32>,
    %shift_right_logical3A_62 = arith.constant 3 : i32
    %shift_right_logical3A_63 = vector.broadcast %shift_right_logical3A_62 : i32 to vector<16xi32>
    %shift_right_logical3A_64 = arith.shrui %get3A_61, %shift_right_logical3A_63 : vector<16xi32>
    %mul3A_65 = arith.constant 64 : i32
    %mul3A_66 = vector.broadcast %mul3A_65 : i32 to vector<16xi32>
    %mul3A_67 = arith.muli %shift_right_logical3A_64, %mul3A_66 : vector<16xi32>
    %shift_right_logical3A_68 = arith.constant 7 : i32
    %shift_right_logical3A_69 = vector.broadcast %shift_right_logical3A_68 : i32 to vector<16xi32>
    %shift_right_logical3A_70 = arith.shrui %add3A_59, %shift_right_logical3A_69 : vector<16xi32>
    %mul3A_71 = arith.constant 8 : i32
    %mul3A_72 = vector.broadcast %mul3A_71 : i32 to vector<16xi32>
    %mul3A_73 = arith.muli %shift_right_logical3A_70, %mul3A_72 : vector<16xi32>
    %add3A_74 = arith.addi %mul3A_67, %mul3A_73 : vector<16xi32>
    %and3A_75 = arith.constant 7 : i32
    %and3A_76 = vector.broadcast %and3A_75 : i32 to vector<16xi32>
    %and3A_77 = arith.andi %get3A_61, %and3A_76 : vector<16xi32>
    %add3A_78 = arith.addi %add3A_74, %and3A_77 : vector<16xi32>
    %swap3A_79 = arith.constant 32 : index
    %swap3A_80 = tpu.vector_load %arg7[%swap3A_79] {strides = array<i32>} : memref<64xi32, #tpu.memory_space<vmem>>, vector<16xi32>,
    tpu.vector_store %arg7[%swap3A_79], %add3A_78 {strides = array<i32>} : memref<64xi32, #tpu.memory_space<vmem>>, vector<16xi32>,
    %add3A_81 = arith.constant 48 : i32
    %add3A_82 = arith.addi %mul3A_0, %add3A_81 : i32
    %add3A_83 = vector.broadcast %add3A_82 : i32 to vector<16xi32>
    %add3A_84 = arith.addi %add3A_83, %iota3A : vector<16xi32>
    %get3A_85 = arith.constant 48 : index
    %get3A_86 = tpu.vector_load %arg6[%get3A_85] {strides = array<i32>} : memref<64xi32, #tpu.memory_space<vmem>>, vector<16xi32>,
    %shift_right_logical3A_87 = arith.constant 3 : i32
    %shift_right_logical3A_88 = vector.broadcast %shift_right_logical3A_87 : i32 to vector<16xi32>
    %shift_right_logical3A_89 = arith.shrui %get3A_86, %shift_right_logical3A_88 : vector<16xi32>
    %mul3A_90 = arith.constant 64 : i32
    %mul3A_91 = vector.broadcast %mul3A_90 : i32 to vector<16xi32>
    %mul3A_92 = arith.muli %shift_right_logical3A_89, %mul3A_91 : vector<16xi32>
    %shift_right_logical3A_93 = arith.constant 7 : i32
    %shift_right_logical3A_94 = vector.broadcast %shift_right_logical3A_93 : i32 to vector<16xi32>
    %shift_right_logical3A_95 = arith.shrui %add3A_84, %shift_right_logical3A_94 : vector<16xi32>
    %mul3A_96 = arith.constant 8 : i32
    %mul3A_97 = vector.broadcast %mul3A_96 : i32 to vector<16xi32>
    %mul3A_98 = arith.muli %shift_right_logical3A_95, %mul3A_97 : vector<16xi32>
    %add3A_99 = arith.addi %mul3A_92, %mul3A_98 : vector<16xi32>
    %and3A_100 = arith.constant 7 : i32
    %and3A_101 = vector.broadcast %and3A_100 : i32 to vector<16xi32>
    %and3A_102 = arith.andi %get3A_86, %and3A_101 : vector<16xi32>
    %add3A_103 = arith.addi %add3A_99, %and3A_102 : vector<16xi32>
    %swap3A_104 = arith.constant 48 : index
    %swap3A_105 = tpu.vector_load %arg7[%swap3A_104] {strides = array<i32>} : memref<64xi32, #tpu.memory_space<vmem>>, vector<16xi32>,
    tpu.vector_store %arg7[%swap3A_104], %add3A_103 {strides = array<i32>} : memref<64xi32, #tpu.memory_space<vmem>>, vector<16xi32>,
    %dma_start3A_106 = tpu.memref_reshape %arg2 : memref<12500x8x8x128xf32, #tpu.memory_space<hbm>> -> memref<800000x128xf32, #tpu.memory_space<hbm>>
    %dma_start3A_107 = arith.constant 0 : i32
    %dma_start3A_108 = arith.constant 0 : i32
    %dma_start3A_109 = tpu.memref_slice %dma_start3A_106[%dma_start3A_107, %dma_start3A_108] : memref<800000x128xf32, #tpu.memory_space<hbm>> -> memref<800000x128xf32, #tpu.memory_space<hbm>>
    tpu.enqueue_indirect_dma source(%dma_start3A_109 : memref<800000x128xf32, #tpu.memory_space<hbm>>) target(%arg9 : memref<64x128xf32, #tpu.memory_space<vmem>>) offsets(%arg7 : memref<64xi32, #tpu.memory_space<vmem>>) semaphore(%arg15 : memref<!tpu.dma_semaphore, #tpu.memory_space<semaphore_mem>>)
    %dma_wait3A_110 = tpu.memref_reshape %arg2 : memref<12500x8x8x128xf32, #tpu.memory_space<hbm>> -> memref<800000x128xf32, #tpu.memory_space<hbm>>
    %dma_wait3A_111 = arith.constant 0 : i32
    %dma_wait3A_112 = arith.constant 0 : i32
    %dma_wait3A_113 = tpu.memref_slice %dma_wait3A_110[%dma_wait3A_111, %dma_wait3A_112] : memref<800000x128xf32, #tpu.memory_space<hbm>> -> memref<800000x128xf32, #tpu.memory_space<hbm>>
    tpu.wait_indirect_dma semaphore(%arg15 : memref<!tpu.dma_semaphore, #tpu.memory_space<semaphore_mem>>) src(%dma_wait3A_113 : memref<800000x128xf32, #tpu.memory_space<hbm>>) dst(%arg9 : memref<64x128xf32, #tpu.memory_space<vmem>>)
    %broadcast_in_dim3A = arith.constant 0.000000e+00 : f32
    %broadcast_in_dim3A_114 = vector.broadcast %broadcast_in_dim3A : f32 to vector<16xf32>
    %add3A_115 = arith.constant 0 : i32
    %add3A_116 = arith.addi %mul3A_0, %add3A_115 : i32
    %add3A_117 = vector.broadcast %add3A_116 : i32 to vector<16xi32>
    %add3A_118 = arith.addi %add3A_117, %iota3A : vector<16xi32>
    %add3A_119 = arith.constant 0 : i32
    %add3A_120 = vector.broadcast %add3A_119 : i32 to vector<16xi32>
    %add3A_121 = arith.addi %add3A_120, %iota3A : vector<16xi32>
    %and3A_122 = arith.constant 127 : i32
    %and3A_123 = vector.broadcast %and3A_122 : i32 to vector<16xi32>
    %and3A_124 = arith.andi %add3A_118, %and3A_123 : vector<16xi32>
    %gather3A = tpu.vector_load_idx %arg9[%add3A_121, %and3A_124] : memref<64x128xf32, #tpu.memory_space<vmem>>[vector<16xi32>, vector<16xi32>], vector<16xf32>,
    %get3A_125 = arith.constant 0 : index
    %get3A_126 = tpu.vector_load %arg8[%get3A_125] {strides = array<i32>} : memref<64xf32, #tpu.memory_space<vmem>>, vector<16xf32>,
    %mul3A_127 = arith.mulf %gather3A, %get3A_126 : vector<16xf32>
    %add3A_128 = arith.addf %broadcast_in_dim3A_114, %mul3A_127 : vector<16xf32>
    %add3A_129 = arith.constant 16 : i32
    %add3A_130 = arith.addi %mul3A_0, %add3A_129 : i32
    %add3A_131 = vector.broadcast %add3A_130 : i32 to vector<16xi32>
    %add3A_132 = arith.addi %add3A_131, %iota3A : vector<16xi32>
    %add3A_133 = arith.constant 16 : i32
    %add3A_134 = vector.broadcast %add3A_133 : i32 to vector<16xi32>
    %add3A_135 = arith.addi %add3A_134, %iota3A : vector<16xi32>
    %and3A_136 = arith.constant 127 : i32
    %and3A_137 = vector.broadcast %and3A_136 : i32 to vector<16xi32>
    %and3A_138 = arith.andi %add3A_132, %and3A_137 : vector<16xi32>
    %gather3A_139 = tpu.vector_load_idx %arg9[%add3A_135, %and3A_138] : memref<64x128xf32, #tpu.memory_space<vmem>>[vector<16xi32>, vector<16xi32>], vector<16xf32>,
    %get3A_140 = arith.constant 16 : index
    %get3A_141 = tpu.vector_load %arg8[%get3A_140] {strides = array<i32>} : memref<64xf32, #tpu.memory_space<vmem>>, vector<16xf32>,
    %mul3A_142 = arith.mulf %gather3A_139, %get3A_141 : vector<16xf32>
    %add3A_143 = arith.addf %add3A_128, %mul3A_142 : vector<16xf32>
    %add3A_144 = arith.constant 32 : i32
    %add3A_145 = arith.addi %mul3A_0, %add3A_144 : i32
    %add3A_146 = vector.broadcast %add3A_145 : i32 to vector<16xi32>
    %add3A_147 = arith.addi %add3A_146, %iota3A : vector<16xi32>
    %add3A_148 = arith.constant 32 : i32
    %add3A_149 = vector.broadcast %add3A_148 : i32 to vector<16xi32>
    %add3A_150 = arith.addi %add3A_149, %iota3A : vector<16xi32>
    %and3A_151 = arith.constant 127 : i32
    %and3A_152 = vector.broadcast %and3A_151 : i32 to vector<16xi32>
    %and3A_153 = arith.andi %add3A_147, %and3A_152 : vector<16xi32>
    %gather3A_154 = tpu.vector_load_idx %arg9[%add3A_150, %and3A_153] : memref<64x128xf32, #tpu.memory_space<vmem>>[vector<16xi32>, vector<16xi32>], vector<16xf32>,
    %get3A_155 = arith.constant 32 : index
    %get3A_156 = tpu.vector_load %arg8[%get3A_155] {strides = array<i32>} : memref<64xf32, #tpu.memory_space<vmem>>, vector<16xf32>,
    %mul3A_157 = arith.mulf %gather3A_154, %get3A_156 : vector<16xf32>
    %add3A_158 = arith.addf %add3A_143, %mul3A_157 : vector<16xf32>
    %add3A_159 = arith.constant 48 : i32
    %add3A_160 = arith.addi %mul3A_0, %add3A_159 : i32
    %add3A_161 = vector.broadcast %add3A_160 : i32 to vector<16xi32>
    %add3A_162 = arith.addi %add3A_161, %iota3A : vector<16xi32>
    %add3A_163 = arith.constant 48 : i32
    %add3A_164 = vector.broadcast %add3A_163 : i32 to vector<16xi32>
    %add3A_165 = arith.addi %add3A_164, %iota3A : vector<16xi32>
    %and3A_166 = arith.constant 127 : i32
    %and3A_167 = vector.broadcast %and3A_166 : i32 to vector<16xi32>
    %and3A_168 = arith.andi %add3A_162, %and3A_167 : vector<16xi32>
    %gather3A_169 = tpu.vector_load_idx %arg9[%add3A_165, %and3A_168] : memref<64x128xf32, #tpu.memory_space<vmem>>[vector<16xi32>, vector<16xi32>], vector<16xf32>,
    %get3A_170 = arith.constant 48 : index
    %get3A_171 = tpu.vector_load %arg8[%get3A_170] {strides = array<i32>} : memref<64xf32, #tpu.memory_space<vmem>>, vector<16xf32>,
    %mul3A_172 = arith.mulf %gather3A_169, %get3A_171 : vector<16xf32>
    %add3A_173 = arith.addf %add3A_158, %mul3A_172 : vector<16xf32>
    %swap3A_174 = arith.constant 0 : index
    %swap3A_175 = tpu.vector_load %arg10[%swap3A_174] {strides = array<i32>} : memref<16xf32, #tpu.memory_space<vmem>>, vector<16xf32>,
    tpu.vector_store %arg10[%swap3A_174], %add3A_173 {strides = array<i32>} : memref<16xf32, #tpu.memory_space<vmem>>, vector<16xf32>,
    "tpu.region"() ({
      %run_scoped3A = tpu.sem_alloc : memref<!tpu.dma_semaphore, #tpu.memory_space<semaphore_mem>>
      %dma_start3A_182 = arith.constant 0 : i32
      %dma_start3A_183 = tpu.memref_slice %arg14[%dma_start3A_182] : memref<16xf32, #tpu.memory_space<vmem_shared>> -> memref<16xf32, #tpu.memory_space<vmem_shared>>
      tpu.enqueue_indirect_dma source(%arg10 : memref<16xf32, #tpu.memory_space<vmem>>) target(%dma_start3A_183 : memref<16xf32, #tpu.memory_space<vmem_shared>>) offsets(%arg11 : memref<16xi32, #tpu.memory_space<vmem>>) semaphore(%run_scoped3A : memref<!tpu.dma_semaphore, #tpu.memory_space<semaphore_mem>>) {add = true}
      %dma_wait3A_184 = arith.constant 0 : i32
      %dma_wait3A_185 = tpu.memref_slice %arg14[%dma_wait3A_184] : memref<16xf32, #tpu.memory_space<vmem_shared>> -> memref<16xf32, #tpu.memory_space<vmem_shared>>
      tpu.wait_indirect_dma semaphore(%run_scoped3A : memref<!tpu.dma_semaphore, #tpu.memory_space<semaphore_mem>>) src(%arg10 : memref<16xf32, #tpu.memory_space<vmem>>) dst(%dma_wait3A_185 : memref<16xf32, #tpu.memory_space<vmem_shared>>)
      tpu.yield
    }) : () -> ()
    %barrier3A_176 = arith.constant 0 : index
    tpu.barrier barrier_id(%barrier3A_176)
    %eq3A_177 = arith.constant 0 : i32
    %eq3A_178 = arith.cmpi eq, %arg1, %eq3A_177 : i32
    %convert_element_type3A_179 = arith.extui %eq3A_178 : i1 to i32
    %cond3A_180 = arith.constant 0 : i32
    %cond3A_181 = arith.cmpi ne, %convert_element_type3A_179, %cond3A_180 : i32
    scf.if %cond3A_181 {
      "tpu.region"() ({
        %run_scoped3A_234 = tpu.sem_alloc : memref<!tpu.dma_semaphore, #tpu.memory_space<semaphore_mem>>
        tpu.enqueue_dma source(%arg14 : memref<16xf32, #tpu.memory_space<vmem_shared>>) target(%arg12 : memref<16xf32, #tpu.memory_space<vmem>>) target_semaphore(%run_scoped3A_234 : memref<!tpu.dma_semaphore, #tpu.memory_space<semaphore_mem>>)
        tpu.wait_dma2 semaphore(%run_scoped3A_234 : memref<!tpu.dma_semaphore, #tpu.memory_space<semaphore_mem>>) src(%arg14 : memref<16xf32, #tpu.memory_space<vmem_shared>>) dst(%arg12 : memref<16xf32, #tpu.memory_space<vmem>>)
        tpu.yield
      }) : () -> ()
      %get3A_182 = arith.constant 0 : index
      %get3A_183 = tpu.vector_load %arg12[%get3A_182] {strides = array<i32>} : memref<16xf32, #tpu.memory_space<vmem>>, vector<16xf32>,
      %xor3A = arith.constant 8 : i32
      %xor3A_184 = vector.broadcast %xor3A : i32 to vector<16xi32>
      %xor3A_185 = arith.xori %iota3A, %xor3A_184 : vector<16xi32>
      %masked_sort3A = arith.constant dense<true> : vector<16xi1>
      %masked_sort3A_186 = arith.constant -2147483648 : i32
      %masked_sort3A_187 = vector.broadcast %masked_sort3A_186 : i32 to vector<16xi32>
      %masked_sort3A_188 = arith.xori %xor3A_185, %masked_sort3A_187 : vector<16xi32>
      %masked_sort3A_189, %masked_sort3A_190, %masked_sort3A_191 = tpu.sort %masked_sort3A_188, %get3A_183 masked %masked_sort3A : (vector<16xi32>, vector<16xf32>, vector<16xi1>) -> (vector<16xi1>, vector<16xi32>, vector<16xf32>)
      %masked_sort3A_192 = arith.xori %masked_sort3A_190, %masked_sort3A_187 : vector<16xi32>
      %add3A_193 = arith.addf %get3A_183, %masked_sort3A_191 : vector<16xf32>
      %xor3A_194 = arith.constant 4 : i32
      %xor3A_195 = vector.broadcast %xor3A_194 : i32 to vector<16xi32>
      %xor3A_196 = arith.xori %iota3A, %xor3A_195 : vector<16xi32>
      %masked_sort3A_197 = arith.constant dense<true> : vector<16xi1>
      %masked_sort3A_198 = arith.constant -2147483648 : i32
      %masked_sort3A_199 = vector.broadcast %masked_sort3A_198 : i32 to vector<16xi32>
      %masked_sort3A_200 = arith.xori %xor3A_196, %masked_sort3A_199 : vector<16xi32>
      %masked_sort3A_201, %masked_sort3A_202, %masked_sort3A_203 = tpu.sort %masked_sort3A_200, %add3A_193 masked %masked_sort3A_197 : (vector<16xi32>, vector<16xf32>, vector<16xi1>) -> (vector<16xi1>, vector<16xi32>, vector<16xf32>)
      %masked_sort3A_204 = arith.xori %masked_sort3A_202, %masked_sort3A_199 : vector<16xi32>
      %add3A_205 = arith.addf %add3A_193, %masked_sort3A_203 : vector<16xf32>
      %xor3A_206 = arith.constant 2 : i32
      %xor3A_207 = vector.broadcast %xor3A_206 : i32 to vector<16xi32>
      %xor3A_208 = arith.xori %iota3A, %xor3A_207 : vector<16xi32>
      %masked_sort3A_209 = arith.constant dense<true> : vector<16xi1>
      %masked_sort3A_210 = arith.constant -2147483648 : i32
      %masked_sort3A_211 = vector.broadcast %masked_sort3A_210 : i32 to vector<16xi32>
      %masked_sort3A_212 = arith.xori %xor3A_208, %masked_sort3A_211 : vector<16xi32>
      %masked_sort3A_213, %masked_sort3A_214, %masked_sort3A_215 = tpu.sort %masked_sort3A_212, %add3A_205 masked %masked_sort3A_209 : (vector<16xi32>, vector<16xf32>, vector<16xi1>) -> (vector<16xi1>, vector<16xi32>, vector<16xf32>)
      %masked_sort3A_216 = arith.xori %masked_sort3A_214, %masked_sort3A_211 : vector<16xi32>
      %add3A_217 = arith.addf %add3A_205, %masked_sort3A_215 : vector<16xf32>
      %xor3A_218 = arith.constant 1 : i32
      %xor3A_219 = vector.broadcast %xor3A_218 : i32 to vector<16xi32>
      %xor3A_220 = arith.xori %iota3A, %xor3A_219 : vector<16xi32>
      %masked_sort3A_221 = arith.constant dense<true> : vector<16xi1>
      %masked_sort3A_222 = arith.constant -2147483648 : i32
      %masked_sort3A_223 = vector.broadcast %masked_sort3A_222 : i32 to vector<16xi32>
      %masked_sort3A_224 = arith.xori %xor3A_220, %masked_sort3A_223 : vector<16xi32>
      %masked_sort3A_225, %masked_sort3A_226, %masked_sort3A_227 = tpu.sort %masked_sort3A_224, %add3A_217 masked %masked_sort3A_221 : (vector<16xi32>, vector<16xf32>, vector<16xi1>) -> (vector<16xi1>, vector<16xi32>, vector<16xf32>)
      %masked_sort3A_228 = arith.xori %masked_sort3A_226, %masked_sort3A_223 : vector<16xi32>
      %add3A_229 = arith.addf %add3A_217, %masked_sort3A_227 : vector<16xf32>
      %neg3A = arith.constant 0.000000e+00 : f32
      %neg3A_230 = vector.broadcast %neg3A : f32 to vector<16xf32>
      %neg3A_231 = arith.subf %neg3A_230, %add3A_229 : vector<16xf32>
      %swap3A_232 = arith.constant 0 : index
      %swap3A_233 = tpu.vector_load %arg13[%swap3A_232] {strides = array<i32>} : memref<16xf32, #tpu.memory_space<vmem>>, vector<16xf32>,
      tpu.vector_store %arg13[%swap3A_232], %neg3A_231 {strides = array<i32>} : memref<16xf32, #tpu.memory_space<vmem>>, vector<16xf32>,
      %run_scoped3A = arith.constant 0 : i32
      "tpu.region"() ({
        %run_scoped3A_234 = tpu.sem_alloc : memref<!tpu.dma_semaphore, #tpu.memory_space<semaphore_mem>>
        %dma_start3A_235 = arith.constant 0 : i32
        %dma_start3A_236 = tpu.memref_slice %arg5[%run_scoped3A, %dma_start3A_235] : memref<1x16xf32, #tpu.memory_space<hbm>> -> memref<1x16xf32, #tpu.memory_space<hbm>>
        %dma_start3A_237 = tpu.memref_squeeze %dma_start3A_236 : memref<1x16xf32, #tpu.memory_space<hbm>> -> memref<16xf32, #tpu.memory_space<hbm>>
        %dma_start3A_238 = arith.constant 0 : i32
        %dma_start3A_239 = tpu.memref_slice %arg5[%run_scoped3A, %dma_start3A_238] : memref<1x16xf32, #tpu.memory_space<hbm>> -> memref<1x16xf32, #tpu.memory_space<hbm>>
        %dma_start3A_240 = tpu.memref_squeeze %dma_start3A_239 : memref<1x16xf32, #tpu.memory_space<hbm>> -> memref<16xf32, #tpu.memory_space<hbm>>
        tpu.enqueue_dma source(%arg13 : memref<16xf32, #tpu.memory_space<vmem>>) target(%dma_start3A_240 : memref<16xf32, #tpu.memory_space<hbm>>) target_semaphore(%run_scoped3A_234 : memref<!tpu.dma_semaphore, #tpu.memory_space<semaphore_mem>>)
        %dma_wait3A_241 = arith.constant 0 : i32
        %dma_wait3A_242 = tpu.memref_slice %arg5[%run_scoped3A, %dma_wait3A_241] : memref<1x16xf32, #tpu.memory_space<hbm>> -> memref<1x16xf32, #tpu.memory_space<hbm>>
        %dma_wait3A_243 = tpu.memref_squeeze %dma_wait3A_242 : memref<1x16xf32, #tpu.memory_space<hbm>> -> memref<16xf32, #tpu.memory_space<hbm>>
        %dma_wait3A_244 = arith.constant 0 : i32
        %dma_wait3A_245 = tpu.memref_slice %arg5[%run_scoped3A, %dma_wait3A_244] : memref<1x16xf32, #tpu.memory_space<hbm>> -> memref<1x16xf32, #tpu.memory_space<hbm>>
        %dma_wait3A_246 = tpu.memref_squeeze %dma_wait3A_245 : memref<1x16xf32, #tpu.memory_space<hbm>> -> memref<16xf32, #tpu.memory_space<hbm>>
        tpu.wait_dma2 semaphore(%run_scoped3A_234 : memref<!tpu.dma_semaphore, #tpu.memory_space<semaphore_mem>>) src(%arg13 : memref<16xf32, #tpu.memory_space<vmem>>) dst(%dma_wait3A_246 : memref<16xf32, #tpu.memory_space<hbm>>)
        tpu.yield
      }) : () -> ()
    } else {
    }
    return
  }
}

</mosaic_0001>

<sc_bundles>
// kernel: kernel.3.cloned.1.call-start
scs
__scs_entry_jumppad:
0x0: {  	(pc) =	sbr.rel $0x88, $3  }
0x1: {  	(tag) =	ssettag $0x0;
	lr =	simm.s32 $0x1  }
0x2: {  	[smem:$0x3F9E] =	sst lr;
	_ =	strace $0xD0000000  }
0x3: {  	_ = 	snop  }
0x4: {  	_ = 	snop  }
0x5: {  	_ = 	snop  }
0x6: {  	_ = 	snop  }
0x7: {  	_ = 	snop  }
__scs_overlays_trampoline_lowered:
0x8: {  	[smem:$0x3FAD] =	sst s0  }
0x9: {  	[smem:$0x3FAE] =	sst s1  }
0xa: {  	[smem:$0x3FAF] =	sst s2  }
0xb: {  	[smem:$0x3FB0] =	sst s3  }
0xc: {  	[smem:$0x3FB1] =	sst s4  }
0xd: {  	[smem:$0x3FB2] =	sst s5  }
0xe: {  	[smem:$0x3FB3] =	sst s6  }
0xf: {  	[smem:$0x3FB4] =	sst s7  }
0x10: {  	[smem:$0x3FB5] =	sst s8  }
0x11: {  	[smem:$0x3FB6] =	sst s9;
	s0 =	simm.s32 @!p0 $0x0  }
0x12: {  	s1 =	sld [smem:$0x3F9C];
	s0 =	simm.s32 @p0 $0x1  }
0x13: {  	[smem:$0x3FB7] =	sst s0;
	s0 =	simm.s32 @!p1 $0x0  }
0x14: {  	s2 =	sld [smem:$0x3F9B];
	s0 =	simm.s32 @p1 $0x1  }
0x15: {  	[smem:$0x3FB8] =	sst s0;
	s0 =	simm.s32 @!p2 $0x0  }
0x16: {  	s3 =	sld [smem:$0x3FDB];
	s0 =	simm.s32 @p2 $0x1  }
0x17: {  	s4 =	simm.s32 $0x1BF5;
	[smem:$0x3FBA] =	sst s0  }
0x18: {  	s0 =	sld [smem:$0x3F9D];
	_ =	swait.ge [sflag:s4], $0x0  }
0x19: {  	s7 =	sld [smem:$0x3F9E]  }
0x1a: {  	s8 =	sadd.s32 $0xFFFFE003, lr  }
0x1b: {  	s9 =	sadd.s32 $0xFFFFFEF7, lr;
	s5 =	simm.s32 $0xFFFFFFFF;
	p2 =	slt.u32 s8, $0xFFFFF086  }
0x1c: {  	p1 =	slt.u32 s9, $0xF7A;
	s5 =	simm.s32 @!p2 $0x0  }
0x1d: {  	s5 =	simm.s32 @p1 $0x1;
	p0 =	seq.s32 s7, s2  }
0x1e: {  	s7 =	smul.u32 @!p0 $0xF7A, s2;
	p2 =	seq.s32 @!p0 s5, $0x0  }
0x1f: {  	s9 =	smul.u32 $0xF7A, s1;
	s8 =	simm.s32 @!p0 $0x1BF5;
	p2 =	por !p2, p0  }
0x20: {  	[sflag:s8] =	ssyncset.s32 @!p0 $0xFFFFF086;
	s6 =	sadd.s32 @!p0 s3, s7;
	s7 =	simm.s32 @!p0 $0x108  }
0x21: {  	s3 =	sadd.s32 s3, s9;
	s6 =	sadd.s32 @!p0 $0x88, s6;
	s7 =	simm.s32 @p2 $0x1082  }
0x22: {  	[simem:s7], [sflag:s8] =	dma.local @!p0 [hbm:s6], $0xF7A  }
0x23: {  	s9 =	sor.u32 $0xD0000000, s2;
	s6 =	simm.s32 $0x108;
	_ =	swait.ge @!p0 [sflag:s8], $0x0  }
0x24: {  	s3 =	sadd.s32 $0x88, s3;
	s6 =	simm.s32 @!p1 $0x1082;
	[sflag:s4] =	ssyncset.s32 $0xFFFFF086  }
0x25: {  	[simem:s6], [sflag:s4] =	dma.local [hbm:s3], $0xF7A  }
0x26: {  	[smem:$0x3F9E] =	sst s1;
	(tag) =	ssettag s2;
	_ =	strace s9  }
0x27: {  	s1 =	sld [smem:$0x3FAE]  }
0x28: {  	s2 =	sld [smem:$0x3FAF]  }
0x29: {  	s4 =	sld [smem:$0x3FB1]  }
0x2a: {  	p0 =	seq.s32 s5, $0x0;
	s5 =	sld [smem:$0x3FB2]  }
0x2b: {  	s6 =	sld [smem:$0x3FB3]  }
0x2c: {  	s7 =	sld [smem:$0x3FB4]  }
0x2d: {  	s3 =	simm.s32 $0x108;
	s8 =	sld [smem:$0x3FB5]  }
0x2e: {  	s3 =	simm.s32 @!p0 $0x1082;
	s9 =	sld [smem:$0x3FB6]  }
0x2f: {  	lr =	sadd.s32 s0, s3;
	s0 =	sld [smem:$0x3FAD]  }
0x30: {  	s3 =	sld [smem:$0x3FB0]  }
0x31: {  	[smem:$0x3FB9] =	sst s10  }
0x32: {  	s10 =	sld [smem:$0x3FB7];
	_ =	sdelay $0x3  }
0x33: {  	p0 =	seq.s32 s10, $0x1;
	s10 =	sld [smem:$0x3FB9];
	_ =	sdelay $0x3  }
0x34: {  	[smem:$0x3FB9] =	sst s10  }
0x35: {  	s10 =	sld [smem:$0x3FB8];
	_ =	sdelay $0x3  }
0x36: {  	p1 =	seq.s32 s10, $0x1;
	s10 =	sld [smem:$0x3FB9];
	_ =	sdelay $0x3  }
0x37: {  	[smem:$0x3FB9] =	sst s10  }
0x38: {  	s10 =	sld [smem:$0x3FBA]  }
0x39: {  	_ = 	snop;
	(pc) =	sbr.ind lr, $3  }
0x3a: {  	_ = 	snop  }
0x3b: {  	_ = 	snop  }
0x3c: {  	p2 =	seq.s32 s10, $0x1;
	s10 =	sld [smem:$0x3FB9]  }
0x3d: {  	_ =	shalt  }
0x3e: {  	_ =	shalt  }
0x3f: {  	_ =	shalt  }
0x40: {  	_ =	shalt  }
0x41: {  	_ =	shalt  }
0x42: {  	_ =	shalt  }
0x43: {  	_ =	shalt  }
0x44: {  	_ =	shalt  }
0x45: {  	_ =	shalt  }
0x46: {  	_ =	shalt  }
0x47: {  	_ =	shalt  }
0x48: {  	_ =	shalt  }
0x49: {  	_ =	shalt  }
0x4a: {  	_ =	shalt  }
0x4b: {  	_ =	shalt  }
0x4c: {  	_ =	shalt  }
0x4d: {  	_ =	shalt  }
0x4e: {  	_ =	shalt  }
0x4f: {  	_ =	shalt  }
0x50: {  	_ =	shalt  }
0x51: {  	_ =	shalt  }
0x52: {  	_ =	shalt  }
0x53: {  	_ =	shalt  }
0x54: {  	_ =	shalt  }
0x55: {  	_ =	shalt  }
0x56: {  	_ =	shalt  }
0x57: {  	_ =	shalt  }
0x58: {  	_ =	shalt  }
0x59: {  	_ =	shalt  }
0x5a: {  	_ =	shalt  }
0x5b: {  	_ =	shalt  }
0x5c: {  	_ =	shalt  }
0x5d: {  	_ =	shalt  }
0x5e: {  	_ =	shalt  }
0x5f: {  	_ =	shalt  }
0x60: {  	_ =	shalt  }
0x61: {  	_ =	shalt  }
0x62: {  	_ =	shalt  }
0x63: {  	_ =	shalt  }
0x64: {  	_ =	shalt  }
0x65: {  	_ =	shalt  }
0x66: {  	_ =	shalt  }
0x67: {  	_ =	shalt  }
0x68: {  	_ =	shalt  }
0x69: {  	_ =	shalt  }
0x6a: {  	_ =	shalt  }
0x6b: {  	_ =	shalt  }
0x6c: {  	_ =	shalt  }
0x6d: {  	_ =	shalt  }
0x6e: {  	_ =	shalt  }
0x6f: {  	_ =	shalt  }
0x70: {  	_ =	shalt  }
0x71: {  	_ =	shalt  }
0x72: {  	_ =	shalt  }
0x73: {  	_ =	shalt  }
0x74: {  	_ =	shalt  }
0x75: {  	_ =	shalt  }
0x76: {  	_ =	shalt  }
0x77: {  	_ =	shalt  }
0x78: {  	_ =	shalt  }
0x79: {  	_ =	shalt  }
0x7a: {  	_ =	shalt  }
0x7b: {  	_ =	shalt  }
0x7c: {  	_ =	shalt  }
0x7d: {  	_ =	shalt  }
0x7e: {  	_ =	shalt  }
0x7f: {  	_ =	shalt  }
0x80: {  	_ =	shalt  }
0x81: {  	_ =	shalt  }
0x82: {  	_ =	shalt  }
0x83: {  	_ =	shalt  }
0x84: {  	_ =	shalt  }
0x85: {  	_ =	shalt  }
0x86: {  	_ =	shalt  }
0x87: {  	_ =	shalt  }
.Lfunc_end0:
.L_simem_size_0:
called_computation_lowered:
.L_overlay_start_0:
0x88: {  	s0 =	sld [smem:$0x3FD9]  }
0x89: {  	s1 =	sld [smem:$0x3FFE];
	_ =	sdelay $0x3  }
0x8a: {  	s0 =	sadd.s32 s1, s0  }
0x8b: {  	[smem:$0x3FC5] =	sst s0  }
0x8c: {  	_ = 	snop  }
0x8d: {  	s0 =	sld [smem:$0x3FC9]  }
0x8e: {  	s17 =	sld [smem:$0x3FC8]  }
0x8f: {  	s2 =	sld [smem:$0x3FC7]  }
0x90: {  	s3 =	sld [smem:$0x3FD0];
	(tm) =	ssettm $0x1  }
0x91: {  	s4 =	sld [smem:$0x3FFB];
	_ =	sdelay $0x3  }
0x92: {  	_ =	strace s4  }
0x93: {  	s4 =	sld [smem:$0x3FFC];
	_ =	sdelay $0x3  }
0x94: {  	_ =	strace s4  }
0x95: {  	s4 =	sld [smem:$0x3FFD];
	_ =	sdelay $0x3  }
0x96: {  	_ =	strace s4  }
0x97: {  	_ =	strace $0x8FFFFFFF  }
0x98: {  	s18 =	sld [smem:$0x3FDB];
	_ =	sdelay $0x1  }
0x99: {  	s5 =	simm.s32 $_scs_section_size  }
0x9a: {  	s6 =	simm.s32 $_size__tile_overlayer_lowered;
	s7 =	simm.s32 $_tile_overlayer_lowered  }
0x9b: {  	s21 =	simm.s32 $0x1BFF;
	s20 =	sshll.u32 s7, $0x1;
	s4 =	sadd.s32 s5, s18  }
0x9c: {  	s8 =	simm.s32 $0x0;
	s19 =	sshll.u32 s6, $0x1;
	s6 =	sadd.s32 s20, s4  }
0x9d: {  	[timem:s8], [sflag:s21] =	dma.local [hbm:s6], s19  }
0x9e: {  	_ =	swait.ge [sflag:s21], s19  }
0x9f: {  	s5 =	ssub.s32 $0x0, s19;
	[sflag:s21] =	ssyncset.done $0x0  }
0xa0: {  	[sflag:s21] =	ssyncadd.s32 s5;
	_ =	sdelay $0x1  }
0xa1: {  	s22 =	simm.s32 $0x1B8B  }
0xa2: {  	_ =	swait.ge [sflag:s22], $0x1  }
0xa3: {  	[sflag:s22] =	ssyncset.done $0x0  }
0xa4: {  	s23 =	simm.s32 $0x1B8E;
	[sflag:s22] =	ssyncadd.s32 $0xFFFFFFFF  }
0xa5: {  	s24 =	simm.s32 $execute0_lowered;
	[smem:$0x3FD2] =	sst s23  }
0xa6: {  	s5 =	sshll.u32 s24, $0x1;
	_ =	strace $0x80000046;
	[dreg:$0x1] =	wrdreg $0xFFFFFFFF  }
0xa7: {  	s25 =	simm.s32 $_size_execute0_lowered;
	s4 =	sadd.s32 s4, s5;
	[dreg:$0x0] =	wrdreg $0x0  }
0xa8: {  	s5 =	sshll.u32 s25, $0x1;
	[dreg:$0x2] =	wrdreg s4  }
0xa9: {  	[dreg:$0x3] =	wrdreg s5  }
0xaa: {  	[dreg:$0x4] =	wrdreg $0xC0  }
0xab: {  	_ =	task [dreg:s8], $0x5FFFF  }
0xac: {  	[dreg:$0x1] =	wrdreg $0xFFFFFFFF  }
0xad: {  	[dreg:$0x0] =	wrdreg $0x60  }
0xae: {  	[dreg:$0x2] =	wrdreg s0  }
0xaf: {  	[dreg:$0x3] =	wrdreg s17  }
0xb0: {  	[dreg:$0x4] =	wrdreg s2  }
0xb1: {  	[dreg:$0x5] =	wrdreg s3  }
0xb2: {  	[dreg:$0x6] =	wrdreg $0x23800  }
0xb3: {  	[dreg:$0x7] =	wrdreg $0x9  }
0xb4: {  	_ =	task.clear_ibuf [dreg:s8], $0x8FFFF;
	_ =	strace $0x90000046  }
0xb5: {  	s26 =	simm.s32 $0x9;
	_ =	strace $0x80000048  }
0xb6: {  	_ =	swait.ge [sflag:s26], $0x1  }
0xb7: {  	[sflag:s26] =	ssyncadd.s32 $0xFFFFFFFF  }
0xb8: {  	_ =	strace $0x90000048  }
0xb9: {  	_ =	sfence  }
0xba: {  	s28 =	sld [smem:$0x0];
	_ =	sdelay $0x1  }
0xbb: {  	s29 =	srdreg.scid  }
0xbc: {  	s30 =	sshll.u32 s29, $0xD;
	s31 =	sshrl.u32 s29, $0x2  }
0xbd: {  	s1 =	sand.u32 $0x1, s29;
	s2 =	sand.u32 $0x4000, s30;
	s0 =	sadd.s32 s31, s28  }
0xbe: {  	s1 =	sor.u32 s2, s1;
	s0 =	sshll.u32 s0, $0x11  }
0xbf: {  	s0 =	sor.u32 s0, s1  }
0xc0: {  	s0 =	sadd.s32 $0x8F2B, s0  }
0xc1: {  	[sflag:s0] =	ssyncadd.remote.s32 $0x1  }
0xc2: {  	_ =	sfence.sel $0xFFFF  }
0xc3: {  	[dreg:$0x0] =	wrdreg $0xFFFFFFFF;
	(pc) =	sbr.abs _section_cstart, $3  }
0xc4: {  	[dreg:$0x1] =	wrdreg $0xFFFFFFFF  }
0xc5: {  	_ =	task.clear_ibuf [dreg:s8], $0x2FFFF;
	_ =	strace $0x9FFFFFFF  }
0xc6: {  	(tm) =	ssettm $0x7FFFFFFF  }
0xc7: {  	_ =	shalt  }
tec
execute0_lowered:
.L_overlay_start_1:
0x0: {  	(tag) =	ssettag $0x1  }
0x1: {  	s4 =	rddreg [dreg:$0x0]  }
0x2: {  	s5 =	rddreg [dreg:$0x1]  }
0x3: {  	s6 =	rddreg [dreg:$0x2]  }
0x4: {  	s1 =	rddreg [dreg:$0x3]  }
0x5: {  	s3 =	rddreg [dreg:$0x4];
	s2 =	simm.s32 $0x0;
	s7 =	stileid.u32  }
0x6: {  	[smem:$0x7FF] =	sst s2;
	s8 =	sshll.u32 s7, $0x3  }
0x7: {  	s0 =	rddreg [dreg:$0x5];
	_ =	strace $0x80000047;
	s5 =	sadd.s32 s5, s8  }
0x8: {  	[tilespmem:s2], [sflag:$0x1] =	stream.linear.gather [hbm4b:s5+s2], $0x40, $0x38;
	[tilespmem:$0x2388] =	vst v63  }
0x9: {  	s23 =	simm.s32 $0x100;
	p0 =	sne.s32 s7, $0x0;
	s22 =	sadd.s32 s6, s8  }
0xa: {  	v0 =	vlaneseq.u32;
	[tilespmem:s23], [sflag:$0x1] =	stream.linear.gather [hbm4b:s22+s2], $0x40, $0x38;
	[tilespmem:$0x2388] =	vst v63  }
0xb: {  	v1 =	vimm.f32 @!p0 $0.0e+00;
	[tilespmem:$0x2200] =	vst v0  }
0xc: {  	s5 =	simm.s32 @!p0 $0x2280;
	[tilespmem:$0x2280] =	vst @!p0 v1  }
0xd: {  	[spmem:s3] =	stream.linear.scatter @!p0 [tilespmem:s5], [sflag:$0x2], $0x80, $0x38;
	[tilespmem:$0x2388] =	vst v63  }
0xe: {  	s5 =	simm.s32 @!p0 $0x2  }
0xf: {  	_ =	swait.ge @!p0 [sflag:s5], $0x80  }
0x10: {  	[sflag:s5] =	ssyncset.done @!p0 $0x0  }
0x11: {  	[sflag:s5] =	ssyncadd.s32 @!p0 $0xFFFFFF80  }
0x12: {  	s24 =	simm.s32 $0x1;
	[bflag:$0x0] =	sbarrier.arrive $0xFFFF  }
0x13: {  	_ =	swait.ge [sflag:s24], $0x40  }
0x14: {  	[sflag:s24] =	ssyncset.done $0x0  }
0x15: {  	[sflag:s24] =	ssyncadd.s32 $0xFFFFFFC0  }
0x16: {  	_ =	swait.ge [sflag:s24], $0x40  }
0x17: {  	[sflag:s24] =	ssyncset.done $0x0  }
0x18: {  	[sflag:s24] =	ssyncadd.s32 $0xFFFFFFC0  }
0x19: {  	v2 =	vld [tilespmem:$0x0]  }
0x1a: {  	s25 =	sshll.u32 s7, $0x6;
	v6 =	vld [tilespmem:$0x10]  }
0x1b: {  	v44 =	vmul.u32 $0x80, v0;
	v43 =	vmov s25;
	v3 =	vor.u32 s25, v0;
	s7 =	sor.u32 $0x10, s25;
	s26 =	sor.u32 $0x20, s25;
	s6 =	sor.u32 $0x30, s25;
	v8 =	vld [tilespmem:$0x20]  }
0x1c: {  	v4 =	vmov s7;
	v5 =	vmov s26;
	v7 =	vmov s6;
	v10 =	vld [tilespmem:$0x30]  }
0x1d: {  	v4 =	vshrl.u32 v4, $0x4;
	v5 =	vshrl.u32 v5, $0x4;
	v7 =	vshrl.u32 v7, $0x4  }
0x1e: {  	v4 =	vand.u32 $0x38, v4;
	v5 =	vand.u32 $0x38, v5;
	v1 =	vshrl.u32 v43, $0x4  }
0x1f: {  	v7 =	vand.u32 $0x38, v7;
	v1 =	vand.u32 $0x38, v1;
	v9 =	vshll.u32 v2, $0x3  }
0x20: {  	v2 =	vand.u32 $0x7, v2;
	v45 =	vshll.u32 v6, $0x3;
	v6 =	vand.u32 $0x7, v6  }
0x21: {  	v46 =	vshll.u32 v8, $0x3;
	v8 =	vand.u32 $0x7, v8;
	v48 =	vshll.u32 v10, $0x3  }
0x22: {  	v49 =	vand.u32 $0x7, v10;
	v1 =	vor.u32 v1, v2;
	v9 =	vand.u32 $0xFFFFFFC0, v9  }
0x23: {  	v50 =	vand.u32 $0xFFFFFFC0, v48;
	v51 =	vor.u32 v7, v49;
	v1 =	vor.u32 v9, v1  }
0x24: {  	v4 =	vor.u32 v4, v6;
	v9 =	vand.u32 $0xFFFFFFC0, v45;
	v52 =	vor.u32 v50, v51;
	[tilespmem:$0x80] =	vst v1  }
0x25: {  	v6 =	vand.u32 $0xFFFFFFC0, v46;
	v47 =	vor.u32 v5, v8;
	v4 =	vor.u32 v9, v4;
	[tilespmem:$0xB0] =	vst v52  }
0x26: {  	v3 =	vand.u32 $0x4F, v3;
	v1 =	vor.u32 v6, v47;
	[tilespmem:$0x90] =	vst v4  }
0x27: {  	s28 =	simm.s32 $0x40;
	s9 =	simm.s32 $0x80;
	s10 =	simm.s32 $0x180;
	v53 =	vor.u32 s7, v0;
	v3 =	vor.u32 v44, v3;
	[tilespmem:$0xA0] =	vst v1  }
0x28: {  	v55 =	vor.u32 $0x800, v44;
	v54 =	vand.u32 $0x5F, v53;
	[tilespmem:s10], [sflag:$0x1] =	stream.indirect.gather [hbm4b:s4+s28], $0x80, s9, s28, $0xb8;
	[tilespmem:$0x2388] =	vst v63  }
0x29: {  	v56 =	vor.u32 s26, v0;
	v1 =	vor.u32 v55, v54;
	_ =	swait.ge [sflag:s24], $0x2000  }
0x2a: {  	v58 =	vor.u32 $0x1000, v44;
	v57 =	vand.u32 $0x6F, v56;
	[sflag:s24] =	ssyncset.done $0x0  }
0x2b: {  	v0 =	vor.u32 s6, v0;
	v4 =	vor.u32 v58, v57;
	[sflag:s24] =	ssyncadd.s32 $0xFFFFE000  }
0x2c: {  	v0 =	vand.u32 $0x7F, v0;
	v2 =	vor.u32 $0x1800, v44;
	v3 =	vld.idx.msk [tilespmem:v3+s10+$0x0], $0xffff  }
0x2d: {  	v0 =	vor.u32 v2, v0;
	v59 =	vld [tilespmem:$0x100]  }
0x2e: {  	v1 =	vld.idx.msk [tilespmem:v1+s10+$0x0], $0xffff  }
0x2f: {  	v60 =	vld [tilespmem:$0x110]  }
0x30: {  	v4 =	vld.idx.msk [tilespmem:v4+s10+$0x0], $0xffff  }
0x31: {  	v61 =	vld [tilespmem:$0x120]  }
0x32: {  	v0 =	vld.idx.msk [tilespmem:v0+s10+$0x0], $0xffff;
	v2 =	vmul.f32 v59, v3  }
0x33: {  	v62 =	vld [tilespmem:$0x130]  }
0x34: {  	v1 =	vmul.f32 v60, v1;
	v2 =	vadd.f32 $0.0e+00, v2;
	_ =	sdelay $0x1  }
0x35: {  	v63 =	vmul.f32 v61, v4;
	v1 =	vadd.f32 v1, v2;
	_ =	sdelay $0x1  }
0x36: {  	v0 =	vmul.f32 v62, v0;
	v1 =	vadd.f32 v63, v1;
	_ =	sdelay $0x1  }
0x37: {  	v0 =	vadd.f32 v0, v1  }
0x38: {  	s29 =	simm.s32 $0x10  }
0x39: {  	s30 =	simm.s32 $0x2200;
	s31 =	simm.s32 $0x2180;
	s4 =	simm.s32 $0x2;
	[tilespmem:$0x2180] =	vst v0  }
0x3a: {  	[spmem:s3] =	stream.indirect.scatter.add.f32 [tilespmem:s31], [sflag:$0x2], $0x1, s30, s29, $0xb8;
	[tilespmem:$0x2388] =	vst v63  }
0x3b: {  	_ =	swait.ge [sflag:s4], $0x10  }
0x3c: {  	[sflag:s4] =	ssyncset.done $0x0  }
0x3d: {  	[sflag:s4] =	ssyncadd.s32 $0xFFFFFFF0  }
0x3e: {  	[bflag:$0x0] =	sbarrier.arrive $0xFFFF  }
0x3f: {  	_ =	sfence.sel @p0 $0x180000  }
0x40: {  	[bflag:$0x0] =	sbarrier.arrive @p0 $0xFFFF  }
0x41: {  	_ =	strace @p0 $0x90000047  }
0x42: {  	[bflag:$0x2] =	sbarrier.arrive @p0 $0xFFFF  }
0x43: {  	_ =	shalt @p0  }
.LBB2_1:
0x44: {  	vm0 =	vcmask $0x300;
	v0 =	vimm.s32 $0x80000007  }
0x45: {  	vm1 =	vcmask $0x704;
	v0 =	vsel vm0, $0x80000008, v0  }
0x46: {  	vm2 =	vcmask $0xB08;
	v0 =	vsel vm1, $0x80000009, v0  }
0x47: {  	vm3 =	vcmask $0xF0C;
	v0 =	vsel vm2, $0x8000000A, v0  }
0x48: {  	vm4 =	vcmask $0x1310;
	v0 =	vsel vm3, $0x8000000B, v0  }
0x49: {  	vm5 =	vcmask $0x1714;
	v0 =	vsel vm4, $0x8000000C, v0  }
0x4a: {  	s5 =	simm.s32 $0x2280;
	vm6 =	vcmask $0x1B18;
	v0 =	vsel vm5, $0x8000000D, v0  }
0x4b: {  	vm7 =	vcmask $0x1F1C;
	[tilespmem:s5], [sflag:$0x2] =	stream.linear.gather [spmem:s3], $0x80, $0x38;
	v0 =	vsel vm6, $0x8000000E, v0;
	[tilespmem:$0x2388] =	vst v63  }
0x4c: {  	vm8 =	vcmask $0x2320;
	_ =	swait.ge [sflag:s4], $0x80;
	v0 =	vsel vm7, $0x8000000F, v0  }
0x4d: {  	vm9 =	vcmask $0x2724;
	[sflag:s4] =	ssyncset.done $0x0;
	v0 =	vsel vm8, $0x80000000, v0  }
0x4e: {  	vm10 =	vcmask $0x2B28;
	[sflag:s4] =	ssyncadd.s32 $0xFFFFFF80;
	v0 =	vsel vm9, $0x80000001, v0  }
0x4f: {  	vm11 =	vcmask $0x2F2C;
	v1 =	vld [tilespmem:$0x2280];
	v0 =	vsel vm10, $0x80000002, v0  }
0x50: {  	vm12 =	vcmask $0x3330;
	v0 =	vsel vm11, $0x80000003, v0  }
0x51: {  	vm13 =	vcmask $0x3734;
	v0 =	vsel vm12, $0x80000004, v0  }
0x52: {  	vm14 =	vcmask $0x3B38;
	v0 =	vsel vm13, $0x80000005, v0  }
0x53: {  	v0 =	vsel vm14, $0x80000006, v0  }
0x54: {  	(xrf1) =	vsort.ascd.msk.u32 $0xffff, v0, v1  }
0x55: {  	v59 =	vimm.s32 $0x8000000B  }
0x56: {  	v0 =	vsel vm0, $0x80000004, v59  }
0x57: {  	v0 =	vsel vm1, $0x80000005, v0  }
0x58: {  	v0 =	vsel vm2, $0x80000006, v0  }
0x59: {  	v0 =	vsel vm3, $0x80000007, v0  }
0x5a: {  	v0 =	vsel vm4, $0x80000000, v0  }
0x5b: {  	v0 =	vsel vm5, $0x80000001, v0  }
0x5c: {  	v0 =	vsel vm6, $0x80000002, v0  }
0x5d: {  	v0 =	vsel vm7, $0x80000003, v0  }
0x5e: {  	v0 =	vsel vm8, $0x8000000C, v0  }
0x5f: {  	v0 =	vsel vm9, $0x8000000D, v0  }
0x60: {  	v0 =	vsel vm10, $0x8000000E, v0  }
0x61: {  	v0 =	vsel vm11, $0x8000000F, v0  }
0x62: {  	v0 =	vsel vm12, $0x80000008, v0;
	_, v2, _ =	vpop (xrf1)  }
0x63: {  	v0 =	vsel vm13, $0x80000009, v0;
	v1 =	vadd.f32 v2, v1  }
0x64: {  	v0 =	vsel vm14, $0x8000000A, v0  }
0x65: {  	(xrf1) =	vsort.ascd.msk.u32 $0xffff, v0, v1  }
0x66: {  	v60 =	vimm.s32 $0x8000000D  }
0x67: {  	v0 =	vsel vm0, $0x80000002, v60  }
0x68: {  	v0 =	vsel vm1, $0x80000003, v0  }
0x69: {  	v0 =	vsel vm2, $0x80000000, v0  }
0x6a: {  	v0 =	vsel vm3, $0x80000001, v0  }
0x6b: {  	v0 =	vsel vm4, $0x80000006, v0  }
0x6c: {  	v0 =	vsel vm5, $0x80000007, v0  }
0x6d: {  	v0 =	vsel vm6, $0x80000004, v0  }
0x6e: {  	v0 =	vsel vm7, $0x80000005, v0  }
0x6f: {  	v0 =	vsel vm8, $0x8000000A, v0  }
0x70: {  	v0 =	vsel vm9, $0x8000000B, v0  }
0x71: {  	v0 =	vsel vm10, $0x80000008, v0  }
0x72: {  	v0 =	vsel vm11, $0x80000009, v0  }
0x73: {  	v0 =	vsel vm12, $0x8000000E, v0;
	_, v61, _ =	vpop (xrf1)  }
0x74: {  	v0 =	vsel vm13, $0x8000000F, v0;
	v1 =	vadd.f32 v61, v1  }
0x75: {  	v0 =	vsel vm14, $0x8000000C, v0  }
0x76: {  	(xrf1) =	vsort.ascd.msk.u32 $0xffff, v0, v1  }
0x77: {  	v62 =	vimm.s32 $0x8000000E  }
0x78: {  	v0 =	vsel vm0, $0x80000001, v62  }
0x79: {  	v0 =	vsel vm1, $0x80000000, v0  }
0x7a: {  	v0 =	vsel vm2, $0x80000003, v0  }
0x7b: {  	v0 =	vsel vm3, $0x80000002, v0  }
0x7c: {  	v0 =	vsel vm4, $0x80000005, v0  }
0x7d: {  	v0 =	vsel vm5, $0x80000004, v0  }
0x7e: {  	v0 =	vsel vm6, $0x80000007, v0  }
0x7f: {  	v0 =	vsel vm7, $0x80000006, v0  }
0x80: {  	v0 =	vsel vm8, $0x80000009, v0  }
0x81: {  	v0 =	vsel vm9, $0x80000008, v0  }
0x82: {  	v0 =	vsel vm10, $0x8000000B, v0  }
0x83: {  	v0 =	vsel vm11, $0x8000000A, v0  }
0x84: {  	v0 =	vsel vm12, $0x8000000D, v0;
	_, v63, _ =	vpop (xrf1)  }
0x85: {  	v0 =	vsel vm13, $0x8000000C, v0;
	v1 =	vadd.f32 v63, v1  }
0x86: {  	v0 =	vsel vm14, $0x8000000F, v0  }
0x87: {  	(xrf1) =	vsort.ascd.msk.u32 $0xffff, v0, v1;
	_ =	sdelay $0xd  }
0x88: {  	_, v0, _ =	vpop (xrf1)  }
0x89: {  	v0 =	vadd.f32 v0, v1;
	_ =	sdelay $0x1  }
0x8a: {  	v0 =	vsub.f32 $0.0e+00, v0;
	_ =	sdelay $0x1  }
0x8b: {  	s31 =	simm.s32 $0x2300;
	[tilespmem:$0x2300] =	vst v0  }
0x8c: {  	[hbm4b:s1+s2] =	stream.linear.scatter [tilespmem:s31], [sflag:$0x2], $0x80, $0x38;
	[tilespmem:$0x2388] =	vst v63  }
0x8d: {  	_ =	swait.ge [sflag:s4], $0x80  }
0x8e: {  	[sflag:s4] =	ssyncset.done $0x0  }
0x8f: {  	[sflag:s4] =	ssyncadd.s32 $0xFFFFFF80  }
0x90: {  	_ =	sfence.sel $0x180000  }
0x91: {  	[bflag:$0x0] =	sbarrier.arrive $0xFFFF  }
0x92: {  	_ =	strace $0x90000047  }
0x93: {  	s0 =	sadd.s32 $0x100000, s0;
	[bflag:$0x2] =	sbarrier.arrive $0xFFFF  }
0x94: {  	[sflag:s0] =	ssyncadd.tile.s32 $0x1;
	_ =	shalt  }
.Lfunc_end2:
_tile_overlayer_lowered:
.L_overlay_start_2:
0x95: {  	(tag) =	ssettag $0x2  }
0x96: {  	s0 =	rddreg [dreg:$0x0];
	s2 =	stileid.u32  }
0x97: {  	s1 =	rddreg [dreg:$0x1];
	p0 =	sne.s32 s2, $0x0  }
0x98: {  	s3 =	rddreg [dreg:$0x2];
	[bflag:$0x3] =	sbarrier.arrive $0xFFFF;
	s2 =	simm.s32 @!p0 $0x1C02  }
0x99: {  	[timem:s3], [sflag:s2] =	dma.local @!p0 [hbm:s0], s1  }
0x9a: {  	s0 =	simm.s32 @!p0 $0x2  }
0x9b: {  	_ =	swait.ge @!p0 [sflag:s0], s1  }
0x9c: {  	s1 =	ssub.s32 @!p0 $0x0, s1;
	[sflag:s0] =	ssyncset.done @!p0 $0x0  }
0x9d: {  	[sflag:s0] =	ssyncadd.s32 @!p0 s1  }
0x9e: {  	[bflag:$0x3] =	sbarrier.arrive $0xFFFF  }
0x9f: {  	_ =	shalt  }

</sc_bundles>
